<compile_context>
chip_gen: v7x
topology: tpu7x:2x2x1
jax: 0.10.2.dev20260603
libtpu: 0.0.44.dev20260713+nightly
codegen_flags: <defaults>
</compile_context>

<pallas_src>
import functools

import jax
import jax.numpy as jnp
from jax.experimental import pallas as pl
from jax.experimental.pallas import tpu as pltpu
from jax.experimental.pallas import tpu_sc as plsc

_K = 2048
_D = 64
_R = 2048
_NW = 32


def _argmin_kernel(zt_ref, wt_ref, idx_ref):
    ztb = zt_ref[0]
    wt = wt_ref[...]

    zb = ztb.T

    zsq = jnp.sum(zb * zb, axis=1, keepdims=True)
    wsq = jnp.sum(wt * wt, axis=0, keepdims=True)

    z2 = (zb.astype(jnp.bfloat16) * jnp.bfloat16(2.0))
    mm2 = jax.lax.dot_general(
        z2, wt, (((1,), (0,)), ((), ())),
        preferred_element_type=jnp.float32,
    )

    dist = (zsq - mm2) + wsq
    idx = jnp.argmin(dist, axis=1).astype(jnp.int32)
    idx_ref[0, 0, :] = idx


def _sc_gather_kernel(table_hbm, idx_hbm, out_hbm, idx_v, rows_v, sem):
    bpw, half = idx_v.shape[0], rows_v.shape[0]
    wid = jax.lax.axis_index("s") * 2 + jax.lax.axis_index("c")
    base = wid * bpw
    pltpu.sync_copy(idx_hbm.at[pl.ds(base, bpw)], idx_v)
    for h in range(bpw // half):
        pltpu.async_copy(
            table_hbm.at[idx_v.at[pl.ds(h * half, half)]], rows_v, sem
        ).wait()
        pltpu.sync_copy(rows_v, out_hbm.at[pl.ds(base + h * half, half)])


def _st_loss_kernel(zt_ref, xq_ref, xqt_ref, loss_ref):
    ztb = zt_ref[0]
    xqt = xq_ref[:, :_D].T
    xqt_ref[0] = ztb + (xqt - ztb)
    d = ztb - xqt
    loss_ref[...] = jnp.sum(d * d).reshape(1, 1, 1)


def _tc_argmin(ztc, wt, tiles):
    return pl.pallas_call(
        _argmin_kernel,
        grid=(tiles,),
        in_specs=[
            pl.BlockSpec((1, _D, _R), lambda i: (0, 0, i)),
            pl.BlockSpec((_D, _K), lambda i: (0, 0)),
        ],
        out_specs=pl.BlockSpec((1, 1, _R), lambda i: (i, 0, 0)),
        out_shape=jax.ShapeDtypeStruct((tiles, 1, _R), jnp.int32),
        compiler_params=pltpu.CompilerParams(
            dimension_semantics=("arbitrary",),
        ),
    )(ztc, wt)


def _sc_gather(wpad, idx_flat, n):
    bpw = n // _NW
    mesh = plsc.VectorSubcoreMesh(core_axis_name="c", subcore_axis_name="s")
    return functools.partial(
        pl.kernel,
        mesh=mesh,
        out_type=jax.ShapeDtypeStruct((n, 128), jnp.float32),
        scratch_types=[
            pltpu.VMEM((bpw,), jnp.int32),
            pltpu.VMEM((bpw // 2, 128), jnp.float32),
            pltpu.SemaphoreType.DMA,
        ],
    )(_sc_gather_kernel)(wpad, idx_flat)


def _tc_st_loss(ztc, xq, tiles):
    return pl.pallas_call(
        _st_loss_kernel,
        grid=(tiles,),
        in_specs=[
            pl.BlockSpec((1, _D, _R), lambda i: (0, 0, i)),
            pl.BlockSpec((_R, 128), lambda i: (i, 0)),
        ],
        out_specs=[
            pl.BlockSpec((1, _D, _R), lambda i: (0, 0, i)),
            pl.BlockSpec((1, 1, 1), lambda i: (i, 0, 0)),
        ],
        out_shape=[
            jax.ShapeDtypeStruct((1, _D, ztc.shape[2]), jnp.float32),
            jax.ShapeDtypeStruct((tiles, 1, 1), jnp.float32),
        ],
        compiler_params=pltpu.CompilerParams(
            dimension_semantics=("arbitrary",),
        ),
    )(ztc, xq)


def kernel(z, codebook):
    B, T, D = z.shape
    zt = jnp.transpose(z, (0, 2, 1))
    tiles = T // _R
    wt = codebook.T
    wpad = jnp.pad(codebook, ((0, 0), (0, 128 - D)))

    idx_chunks = []
    xq_chunks = []
    for b in range(B):
        ztc = jax.lax.slice_in_dim(zt, b, b + 1, axis=0)
        idx3 = _tc_argmin(ztc, wt, tiles)
        idx_chunks.append(idx3)
        xq_chunks.append(_sc_gather(wpad, idx3.reshape(T), T))

    xqt_chunks = []
    loss_chunks = []
    for b in range(B):
        ztc = jax.lax.slice_in_dim(zt, b, b + 1, axis=0)
        xqt_b, loss_b = _tc_st_loss(ztc, xq_chunks[b], tiles)
        xqt_chunks.append(xqt_b)
        loss_chunks.append(loss_b)

    xqt = jnp.concatenate(xqt_chunks, axis=0)
    xq_st = jnp.transpose(xqt, (0, 2, 1))
    idx = jnp.concatenate(idx_chunks, axis=0).reshape(B, T)
    commit_loss = (
        jnp.sum(jnp.concatenate(loss_chunks)) * jnp.float32(2.0 ** -21)
    )
    return xq_st, idx, commit_loss

# --- scband reference (transcript-rebuilt; emitter-appended) ---
"""Pipeline reference for scband-ice-box-model-36043365548353 (READ-ONLY COPY).

The authoritative reference and input builder live on the scoring server;
editing this copy changes nothing except your own understanding.
"""

import jax, jax.numpy as jnp
import numpy as np


def setup_inputs(seed: int = 0) -> dict:
    key = jax.random.key(seed)
    k1, k2 = jax.random.split(key)
    # Jukebox VQ-VAE middle-level latents: 1048576 samples / hop 32 -> 32768 tokens total
    # split over batch 2 as [2, 16384, 64]; codebook K=2048, emb_width=64 (Jukebox defaults)
    z = jax.random.normal(k1, (2, 16384, 64), dtype=jnp.float32)
    codebook = jax.random.normal(k2, (2048, 64), dtype=jnp.float32) * 0.02
    return {"z": z, "codebook": codebook}


def reference(z, codebook):
    # Faithful Jukebox bottleneck quantization (BottleneckBlock.quantise):
    # nearest-codebook-entry assignment by squared L2 distance, gather, straight-through.
    B, T, D = z.shape
    zf = z.reshape(-1, D)  # [B*T, D]
    # ||z||^2 - 2 z.W^T + ||W||^2
    dist = (
        jnp.sum(zf * zf, axis=1, keepdims=True)
        - 2.0 * (zf @ codebook.T)
        + jnp.sum(codebook * codebook, axis=1)[None, :]
    )  # [B*T, K]
    idx = jnp.argmin(dist, axis=1)  # [B*T] int codes
    xq = jnp.take(codebook, idx, axis=0).reshape(B, T, D)  # gather -> dequantized latents
    # straight-through estimator as in Jukebox: x_q = z + (x_q - z).detach()
    xq_st = z + jax.lax.stop_gradient(xq - z)
    # commitment loss term computed in Jukebox forward
    commit_loss = jnp.mean((z - jax.lax.stop_gradient(xq)) ** 2)
    return xq_st, idx.reshape(B, T), commit_loss

if __name__ == "__main__":
    import jax
    _d = setup_inputs()
    print(jax.jit(kernel)(*tuple(_d.values())))

</pallas_src>

<mosaic_0001>
#map = affine_map<(d0, d1) -> (0, 0)>
#map1 = affine_map<(d0, d1) -> (0)>
module attributes {stable_mosaic.version = 14 : i64} {
  func.func @_sc_gather_kernel(%arg0: i32, %arg1: i32, %arg2: memref<2048x128xf32, #tpu.memory_space<hbm>>, %arg3: memref<16384xi32, #tpu.memory_space<hbm>>, %arg4: memref<16384x128xf32, #tpu.memory_space<hbm>>, %arg5: memref<512xi32, #tpu.memory_space<vmem>>, %arg6: memref<256x128xf32, #tpu.memory_space<vmem>>, %arg7: memref<!tpu.dma_semaphore, #tpu.memory_space<semaphore_mem>>) attributes {dimension_semantics = [#tpu.dimension_semantics<core_parallel>, #tpu.dimension_semantics<subcore_parallel>], iteration_bounds = array<i64: 2, 16>, scalar_prefetch = 0 : i64, scratch_operands = 3 : i64, tpu.core_type = #tpu.core_type<sc_vector_subcore>, window_params = [{transform_indices = #map}, {transform_indices = #map1}, {transform_indices = #map}]} {
    %mul3A = arith.constant 2 : i32
    %mul3A_0 = arith.muli %arg1, %mul3A : i32
    %add3A = arith.addi %mul3A_0, %arg0 : i32
    %mul3A_1 = arith.constant 512 : i32
    %mul3A_2 = arith.muli %add3A, %mul3A_1 : i32
    "tpu.region"() ({
      %run_scoped3A = tpu.sem_alloc : memref<!tpu.dma_semaphore, #tpu.memory_space<semaphore_mem>>
      %dma_start3A_25 = tpu.memref_slice %arg3[%mul3A_2] : memref<16384xi32, #tpu.memory_space<hbm>> -> memref<512xi32, #tpu.memory_space<hbm>>
      %dma_start3A_26 = tpu.memref_slice %arg3[%mul3A_2] : memref<16384xi32, #tpu.memory_space<hbm>> -> memref<512xi32, #tpu.memory_space<hbm>>
      tpu.enqueue_dma source(%dma_start3A_26 : memref<512xi32, #tpu.memory_space<hbm>>) target(%arg5 : memref<512xi32, #tpu.memory_space<vmem>>) target_semaphore(%run_scoped3A : memref<!tpu.dma_semaphore, #tpu.memory_space<semaphore_mem>>)
      %dma_wait3A_27 = tpu.memref_slice %arg3[%mul3A_2] : memref<16384xi32, #tpu.memory_space<hbm>> -> memref<512xi32, #tpu.memory_space<hbm>>
      %dma_wait3A_28 = tpu.memref_slice %arg3[%mul3A_2] : memref<16384xi32, #tpu.memory_space<hbm>> -> memref<512xi32, #tpu.memory_space<hbm>>
      tpu.wait_dma2 semaphore(%run_scoped3A : memref<!tpu.dma_semaphore, #tpu.memory_space<semaphore_mem>>) src(%dma_wait3A_28 : memref<512xi32, #tpu.memory_space<hbm>>) dst(%arg5 : memref<512xi32, #tpu.memory_space<vmem>>)
      tpu.yield
    }) : () -> ()
    %dma_start3A = arith.constant 0 : i32
    %dma_start3A_3 = tpu.memref_slice %arg5[%dma_start3A] : memref<512xi32, #tpu.memory_space<vmem>> -> memref<256xi32, #tpu.memory_space<vmem>>
    %dma_start3A_4 = arith.constant 0 : i32
    %dma_start3A_5 = arith.constant 0 : i32
    %dma_start3A_6 = tpu.memref_slice %arg2[%dma_start3A_4, %dma_start3A_5] : memref<2048x128xf32, #tpu.memory_space<hbm>> -> memref<2048x128xf32, #tpu.memory_space<hbm>>
    tpu.enqueue_indirect_dma source(%dma_start3A_6 : memref<2048x128xf32, #tpu.memory_space<hbm>>) target(%arg6 : memref<256x128xf32, #tpu.memory_space<vmem>>) offsets(%dma_start3A_3 : memref<256xi32, #tpu.memory_space<vmem>>) semaphore(%arg7 : memref<!tpu.dma_semaphore, #tpu.memory_space<semaphore_mem>>)
    %dma_wait3A = arith.constant 0 : i32
    %dma_wait3A_7 = tpu.memref_slice %arg5[%dma_wait3A] : memref<512xi32, #tpu.memory_space<vmem>> -> memref<256xi32, #tpu.memory_space<vmem>>
    %dma_wait3A_8 = arith.constant 0 : i32
    %dma_wait3A_9 = arith.constant 0 : i32
    %dma_wait3A_10 = tpu.memref_slice %arg2[%dma_wait3A_8, %dma_wait3A_9] : memref<2048x128xf32, #tpu.memory_space<hbm>> -> memref<2048x128xf32, #tpu.memory_space<hbm>>
    tpu.wait_indirect_dma semaphore(%arg7 : memref<!tpu.dma_semaphore, #tpu.memory_space<semaphore_mem>>) src(%dma_wait3A_10 : memref<2048x128xf32, #tpu.memory_space<hbm>>) dst(%arg6 : memref<256x128xf32, #tpu.memory_space<vmem>>)
    %add3A_11 = arith.constant 0 : i32
    %add3A_12 = arith.addi %mul3A_2, %add3A_11 : i32
    "tpu.region"() ({
      %run_scoped3A = tpu.sem_alloc : memref<!tpu.dma_semaphore, #tpu.memory_space<semaphore_mem>>
      %dma_start3A_25 = arith.constant 0 : i32
      %dma_start3A_26 = tpu.memref_slice %arg4[%add3A_12, %dma_start3A_25] : memref<16384x128xf32, #tpu.memory_space<hbm>> -> memref<256x128xf32, #tpu.memory_space<hbm>>
      %dma_start3A_27 = arith.constant 0 : i32
      %dma_start3A_28 = tpu.memref_slice %arg4[%add3A_12, %dma_start3A_27] : memref<16384x128xf32, #tpu.memory_space<hbm>> -> memref<256x128xf32, #tpu.memory_space<hbm>>
      tpu.enqueue_dma source(%arg6 : memref<256x128xf32, #tpu.memory_space<vmem>>) target(%dma_start3A_28 : memref<256x128xf32, #tpu.memory_space<hbm>>) target_semaphore(%run_scoped3A : memref<!tpu.dma_semaphore, #tpu.memory_space<semaphore_mem>>)
      %dma_wait3A_29 = arith.constant 0 : i32
      %dma_wait3A_30 = tpu.memref_slice %arg4[%add3A_12, %dma_wait3A_29] : memref<16384x128xf32, #tpu.memory_space<hbm>> -> memref<256x128xf32, #tpu.memory_space<hbm>>
      %dma_wait3A_31 = arith.constant 0 : i32
      %dma_wait3A_32 = tpu.memref_slice %arg4[%add3A_12, %dma_wait3A_31] : memref<16384x128xf32, #tpu.memory_space<hbm>> -> memref<256x128xf32, #tpu.memory_space<hbm>>
      tpu.wait_dma2 semaphore(%run_scoped3A : memref<!tpu.dma_semaphore, #tpu.memory_space<semaphore_mem>>) src(%arg6 : memref<256x128xf32, #tpu.memory_space<vmem>>) dst(%dma_wait3A_32 : memref<256x128xf32, #tpu.memory_space<hbm>>)
      tpu.yield
    }) : () -> ()
    %dma_start3A_13 = arith.constant 256 : i32
    %dma_start3A_14 = tpu.memref_slice %arg5[%dma_start3A_13] : memref<512xi32, #tpu.memory_space<vmem>> -> memref<256xi32, #tpu.memory_space<vmem>>
    %dma_start3A_15 = arith.constant 0 : i32
    %dma_start3A_16 = arith.constant 0 : i32
    %dma_start3A_17 = tpu.memref_slice %arg2[%dma_start3A_15, %dma_start3A_16] : memref<2048x128xf32, #tpu.memory_space<hbm>> -> memref<2048x128xf32, #tpu.memory_space<hbm>>
    tpu.enqueue_indirect_dma source(%dma_start3A_17 : memref<2048x128xf32, #tpu.memory_space<hbm>>) target(%arg6 : memref<256x128xf32, #tpu.memory_space<vmem>>) offsets(%dma_start3A_14 : memref<256xi32, #tpu.memory_space<vmem>>) semaphore(%arg7 : memref<!tpu.dma_semaphore, #tpu.memory_space<semaphore_mem>>)
    %dma_wait3A_18 = arith.constant 256 : i32
    %dma_wait3A_19 = tpu.memref_slice %arg5[%dma_wait3A_18] : memref<512xi32, #tpu.memory_space<vmem>> -> memref<256xi32, #tpu.memory_space<vmem>>
    %dma_wait3A_20 = arith.constant 0 : i32
    %dma_wait3A_21 = arith.constant 0 : i32
    %dma_wait3A_22 = tpu.memref_slice %arg2[%dma_wait3A_20, %dma_wait3A_21] : memref<2048x128xf32, #tpu.memory_space<hbm>> -> memref<2048x128xf32, #tpu.memory_space<hbm>>
    tpu.wait_indirect_dma semaphore(%arg7 : memref<!tpu.dma_semaphore, #tpu.memory_space<semaphore_mem>>) src(%dma_wait3A_22 : memref<2048x128xf32, #tpu.memory_space<hbm>>) dst(%arg6 : memref<256x128xf32, #tpu.memory_space<vmem>>)
    %add3A_23 = arith.constant 256 : i32
    %add3A_24 = arith.addi %mul3A_2, %add3A_23 : i32
    "tpu.region"() ({
      %run_scoped3A = tpu.sem_alloc : memref<!tpu.dma_semaphore, #tpu.memory_space<semaphore_mem>>
      %dma_start3A_25 = arith.constant 0 : i32
      %dma_start3A_26 = tpu.memref_slice %arg4[%add3A_24, %dma_start3A_25] : memref<16384x128xf32, #tpu.memory_space<hbm>> -> memref<256x128xf32, #tpu.memory_space<hbm>>
      %dma_start3A_27 = arith.constant 0 : i32
      %dma_start3A_28 = tpu.memref_slice %arg4[%add3A_24, %dma_start3A_27] : memref<16384x128xf32, #tpu.memory_space<hbm>> -> memref<256x128xf32, #tpu.memory_space<hbm>>
      tpu.enqueue_dma source(%arg6 : memref<256x128xf32, #tpu.memory_space<vmem>>) target(%dma_start3A_28 : memref<256x128xf32, #tpu.memory_space<hbm>>) target_semaphore(%run_scoped3A : memref<!tpu.dma_semaphore, #tpu.memory_space<semaphore_mem>>)
      %dma_wait3A_29 = arith.constant 0 : i32
      %dma_wait3A_30 = tpu.memref_slice %arg4[%add3A_24, %dma_wait3A_29] : memref<16384x128xf32, #tpu.memory_space<hbm>> -> memref<256x128xf32, #tpu.memory_space<hbm>>
      %dma_wait3A_31 = arith.constant 0 : i32
      %dma_wait3A_32 = tpu.memref_slice %arg4[%add3A_24, %dma_wait3A_31] : memref<16384x128xf32, #tpu.memory_space<hbm>> -> memref<256x128xf32, #tpu.memory_space<hbm>>
      tpu.wait_dma2 semaphore(%run_scoped3A : memref<!tpu.dma_semaphore, #tpu.memory_space<semaphore_mem>>) src(%arg6 : memref<256x128xf32, #tpu.memory_space<vmem>>) dst(%dma_wait3A_32 : memref<256x128xf32, #tpu.memory_space<hbm>>)
      tpu.yield
    }) : () -> ()
    return
  }
}

#map = affine_map<(d0, d1) -> (0, 0)>
#map1 = affine_map<(d0, d1) -> (0)>
module attributes {stable_mosaic.version = 14 : i64} {
  func.func @_sc_gather_kernel(%arg0: i32, %arg1: i32, %arg2: memref<2048x128xf32, #tpu.memory_space<hbm>>, %arg3: memref<16384xi32, #tpu.memory_space<hbm>>, %arg4: memref<16384x128xf32, #tpu.memory_space<hbm>>, %arg5: memref<512xi32, #tpu.memory_space<vmem>>, %arg6: memref<256x128xf32, #tpu.memory_space<vmem>>, %arg7: memref<!tpu.dma_semaphore, #tpu.memory_space<semaphore_mem>>) attributes {dimension_semantics = [#tpu.dimension_semantics<core_parallel>, #tpu.dimension_semantics<subcore_parallel>], iteration_bounds = array<i64: 2, 16>, scalar_prefetch = 0 : i64, scratch_operands = 3 : i64, tpu.core_type = #tpu.core_type<sc_vector_subcore>, window_params = [{transform_indices = #map}, {transform_indices = #map1}, {transform_indices = #map}]} {
    %mul3A = arith.constant 2 : i32
    %mul3A_0 = arith.muli %arg1, %mul3A : i32
    %add3A = arith.addi %mul3A_0, %arg0 : i32
    %mul3A_1 = arith.constant 512 : i32
    %mul3A_2 = arith.muli %add3A, %mul3A_1 : i32
    "tpu.region"() ({
      %run_scoped3A = tpu.sem_alloc : memref<!tpu.dma_semaphore, #tpu.memory_space<semaphore_mem>>
      %dma_start3A_25 = tpu.memref_slice %arg3[%mul3A_2] : memref<16384xi32, #tpu.memory_space<hbm>> -> memref<512xi32, #tpu.memory_space<hbm>>
      %dma_start3A_26 = tpu.memref_slice %arg3[%mul3A_2] : memref<16384xi32, #tpu.memory_space<hbm>> -> memref<512xi32, #tpu.memory_space<hbm>>
      tpu.enqueue_dma source(%dma_start3A_26 : memref<512xi32, #tpu.memory_space<hbm>>) target(%arg5 : memref<512xi32, #tpu.memory_space<vmem>>) target_semaphore(%run_scoped3A : memref<!tpu.dma_semaphore, #tpu.memory_space<semaphore_mem>>)
      %dma_wait3A_27 = tpu.memref_slice %arg3[%mul3A_2] : memref<16384xi32, #tpu.memory_space<hbm>> -> memref<512xi32, #tpu.memory_space<hbm>>
      %dma_wait3A_28 = tpu.memref_slice %arg3[%mul3A_2] : memref<16384xi32, #tpu.memory_space<hbm>> -> memref<512xi32, #tpu.memory_space<hbm>>
      tpu.wait_dma2 semaphore(%run_scoped3A : memref<!tpu.dma_semaphore, #tpu.memory_space<semaphore_mem>>) src(%dma_wait3A_28 : memref<512xi32, #tpu.memory_space<hbm>>) dst(%arg5 : memref<512xi32, #tpu.memory_space<vmem>>)
      tpu.yield
    }) : () -> ()
    %dma_start3A = arith.constant 0 : i32
    %dma_start3A_3 = tpu.memref_slice %arg5[%dma_start3A] : memref<512xi32, #tpu.memory_space<vmem>> -> memref<256xi32, #tpu.memory_space<vmem>>
    %dma_start3A_4 = arith.constant 0 : i32
    %dma_start3A_5 = arith.constant 0 : i32
    %dma_start3A_6 = tpu.memref_slice %arg2[%dma_start3A_4, %dma_start3A_5] : memref<2048x128xf32, #tpu.memory_space<hbm>> -> memref<2048x128xf32, #tpu.memory_space<hbm>>
    tpu.enqueue_indirect_dma source(%dma_start3A_6 : memref<2048x128xf32, #tpu.memory_space<hbm>>) target(%arg6 : memref<256x128xf32, #tpu.memory_space<vmem>>) offsets(%dma_start3A_3 : memref<256xi32, #tpu.memory_space<vmem>>) semaphore(%arg7 : memref<!tpu.dma_semaphore, #tpu.memory_space<semaphore_mem>>)
    %dma_wait3A = arith.constant 0 : i32
    %dma_wait3A_7 = tpu.memref_slice %arg5[%dma_wait3A] : memref<512xi32, #tpu.memory_space<vmem>> -> memref<256xi32, #tpu.memory_space<vmem>>
    %dma_wait3A_8 = arith.constant 0 : i32
    %dma_wait3A_9 = arith.constant 0 : i32
    %dma_wait3A_10 = tpu.memref_slice %arg2[%dma_wait3A_8, %dma_wait3A_9] : memref<2048x128xf32, #tpu.memory_space<hbm>> -> memref<2048x128xf32, #tpu.memory_space<hbm>>
    tpu.wait_indirect_dma semaphore(%arg7 : memref<!tpu.dma_semaphore, #tpu.memory_space<semaphore_mem>>) src(%dma_wait3A_10 : memref<2048x128xf32, #tpu.memory_space<hbm>>) dst(%arg6 : memref<256x128xf32, #tpu.memory_space<vmem>>)
    %add3A_11 = arith.constant 0 : i32
    %add3A_12 = arith.addi %mul3A_2, %add3A_11 : i32
    "tpu.region"() ({
      %run_scoped3A = tpu.sem_alloc : memref<!tpu.dma_semaphore, #tpu.memory_space<semaphore_mem>>
      %dma_start3A_25 = arith.constant 0 : i32
      %dma_start3A_26 = tpu.memref_slice %arg4[%add3A_12, %dma_start3A_25] : memref<16384x128xf32, #tpu.memory_space<hbm>> -> memref<256x128xf32, #tpu.memory_space<hbm>>
      %dma_start3A_27 = arith.constant 0 : i32
      %dma_start3A_28 = tpu.memref_slice %arg4[%add3A_12, %dma_start3A_27] : memref<16384x128xf32, #tpu.memory_space<hbm>> -> memref<256x128xf32, #tpu.memory_space<hbm>>
      tpu.enqueue_dma source(%arg6 : memref<256x128xf32, #tpu.memory_space<vmem>>) target(%dma_start3A_28 : memref<256x128xf32, #tpu.memory_space<hbm>>) target_semaphore(%run_scoped3A : memref<!tpu.dma_semaphore, #tpu.memory_space<semaphore_mem>>)
      %dma_wait3A_29 = arith.constant 0 : i32
      %dma_wait3A_30 = tpu.memref_slice %arg4[%add3A_12, %dma_wait3A_29] : memref<16384x128xf32, #tpu.memory_space<hbm>> -> memref<256x128xf32, #tpu.memory_space<hbm>>
      %dma_wait3A_31 = arith.constant 0 : i32
      %dma_wait3A_32 = tpu.memref_slice %arg4[%add3A_12, %dma_wait3A_31] : memref<16384x128xf32, #tpu.memory_space<hbm>> -> memref<256x128xf32, #tpu.memory_space<hbm>>
      tpu.wait_dma2 semaphore(%run_scoped3A : memref<!tpu.dma_semaphore, #tpu.memory_space<semaphore_mem>>) src(%arg6 : memref<256x128xf32, #tpu.memory_space<vmem>>) dst(%dma_wait3A_32 : memref<256x128xf32, #tpu.memory_space<hbm>>)
      tpu.yield
    }) : () -> ()
    %dma_start3A_13 = arith.constant 256 : i32
    %dma_start3A_14 = tpu.memref_slice %arg5[%dma_start3A_13] : memref<512xi32, #tpu.memory_space<vmem>> -> memref<256xi32, #tpu.memory_space<vmem>>
    %dma_start3A_15 = arith.constant 0 : i32
    %dma_start3A_16 = arith.constant 0 : i32
    %dma_start3A_17 = tpu.memref_slice %arg2[%dma_start3A_15, %dma_start3A_16] : memref<2048x128xf32, #tpu.memory_space<hbm>> -> memref<2048x128xf32, #tpu.memory_space<hbm>>
    tpu.enqueue_indirect_dma source(%dma_start3A_17 : memref<2048x128xf32, #tpu.memory_space<hbm>>) target(%arg6 : memref<256x128xf32, #tpu.memory_space<vmem>>) offsets(%dma_start3A_14 : memref<256xi32, #tpu.memory_space<vmem>>) semaphore(%arg7 : memref<!tpu.dma_semaphore, #tpu.memory_space<semaphore_mem>>)
    %dma_wait3A_18 = arith.constant 256 : i32
    %dma_wait3A_19 = tpu.memref_slice %arg5[%dma_wait3A_18] : memref<512xi32, #tpu.memory_space<vmem>> -> memref<256xi32, #tpu.memory_space<vmem>>
    %dma_wait3A_20 = arith.constant 0 : i32
    %dma_wait3A_21 = arith.constant 0 : i32
    %dma_wait3A_22 = tpu.memref_slice %arg2[%dma_wait3A_20, %dma_wait3A_21] : memref<2048x128xf32, #tpu.memory_space<hbm>> -> memref<2048x128xf32, #tpu.memory_space<hbm>>
    tpu.wait_indirect_dma semaphore(%arg7 : memref<!tpu.dma_semaphore, #tpu.memory_space<semaphore_mem>>) src(%dma_wait3A_22 : memref<2048x128xf32, #tpu.memory_space<hbm>>) dst(%arg6 : memref<256x128xf32, #tpu.memory_space<vmem>>)
    %add3A_23 = arith.constant 256 : i32
    %add3A_24 = arith.addi %mul3A_2, %add3A_23 : i32
    "tpu.region"() ({
      %run_scoped3A = tpu.sem_alloc : memref<!tpu.dma_semaphore, #tpu.memory_space<semaphore_mem>>
      %dma_start3A_25 = arith.constant 0 : i32
      %dma_start3A_26 = tpu.memref_slice %arg4[%add3A_24, %dma_start3A_25] : memref<16384x128xf32, #tpu.memory_space<hbm>> -> memref<256x128xf32, #tpu.memory_space<hbm>>
      %dma_start3A_27 = arith.constant 0 : i32
      %dma_start3A_28 = tpu.memref_slice %arg4[%add3A_24, %dma_start3A_27] : memref<16384x128xf32, #tpu.memory_space<hbm>> -> memref<256x128xf32, #tpu.memory_space<hbm>>
      tpu.enqueue_dma source(%arg6 : memref<256x128xf32, #tpu.memory_space<vmem>>) target(%dma_start3A_28 : memref<256x128xf32, #tpu.memory_space<hbm>>) target_semaphore(%run_scoped3A : memref<!tpu.dma_semaphore, #tpu.memory_space<semaphore_mem>>)
      %dma_wait3A_29 = arith.constant 0 : i32
      %dma_wait3A_30 = tpu.memref_slice %arg4[%add3A_24, %dma_wait3A_29] : memref<16384x128xf32, #tpu.memory_space<hbm>> -> memref<256x128xf32, #tpu.memory_space<hbm>>
      %dma_wait3A_31 = arith.constant 0 : i32
      %dma_wait3A_32 = tpu.memref_slice %arg4[%add3A_24, %dma_wait3A_31] : memref<16384x128xf32, #tpu.memory_space<hbm>> -> memref<256x128xf32, #tpu.memory_space<hbm>>
      tpu.wait_dma2 semaphore(%run_scoped3A : memref<!tpu.dma_semaphore, #tpu.memory_space<semaphore_mem>>) src(%arg6 : memref<256x128xf32, #tpu.memory_space<vmem>>) dst(%dma_wait3A_32 : memref<256x128xf32, #tpu.memory_space<hbm>>)
      tpu.yield
    }) : () -> ()
    return
  }
}

module attributes {stable_mosaic.version = 14 : i64} {
  func.func @_argmin_kernel(%arg0: i32, %arg1: memref<1x64x2048xf32, #tpu.memory_space<vmem>>, %arg2: memref<64x2048xf32, #tpu.memory_space<vmem>>, %arg3: memref<1x1x2048xi32, #tpu.memory_space<vmem>>) attributes {dimension_semantics = [#tpu.dimension_semantics<arbitrary>], iteration_bounds = array<i64: 8>, scalar_prefetch = 0 : i64, scratch_operands = 0 : i64, tpu.core_type = #tpu.core_type<tc>, window_params = [{transform_indices = @transform_0, window_bounds = array<i64: 1, 64, 2048>}, {pipeline_mode = #tpu.pipeline_mode<synchronous>, transform_indices = @transform_1, window_bounds = array<i64: 64, 2048>}, {transform_indices = @transform_2, window_bounds = array<i64: 1, 1, 2048>}]} {
    %get3A = arith.constant 0 : index
    %get3A_0 = arith.constant 0 : index
    %get3A_1 = arith.constant 0 : index
    %get3A_2 = vector.load %arg1[%get3A, %get3A_0, %get3A_1] : memref<1x64x2048xf32, #tpu.memory_space<vmem>>, vector<1x64x2048xf32>
    %get3A_3 = vector.shape_cast %get3A_2 : vector<1x64x2048xf32> to vector<64x2048xf32>
    %get3A_4 = arith.constant 0 : index
    %get3A_5 = arith.constant 0 : index
    %get3A_6 = vector.load %arg2[%get3A_4, %get3A_5] : memref<64x2048xf32, #tpu.memory_space<vmem>>, vector<64x2048xf32>
    %transpose3A = tpu.transpose %get3A_3, [1, 0] : vector<64x2048xf32> -> vector<2048x64xf32>
    %mul3A = arith.mulf %transpose3A, %transpose3A : vector<2048x64xf32>
    %reduce_sum3A = arith.constant dense<0.000000e+00> : vector<2048xf32>
    %reduce_sum3A_7 = vector.multi_reduction <add>, %mul3A, %reduce_sum3A [1] : vector<2048x64xf32> to vector<2048xf32>
    %broadcast_in_dim3A = vector.shape_cast %reduce_sum3A_7 : vector<2048xf32> to vector<2048x1xf32>
    %mul3A_8 = arith.mulf %get3A_6, %get3A_6 : vector<64x2048xf32>
    %reduce_sum3A_9 = arith.constant dense<0.000000e+00> : vector<2048xf32>
    %reduce_sum3A_10 = vector.multi_reduction <add>, %mul3A_8, %reduce_sum3A_9 [0] : vector<64x2048xf32> to vector<2048xf32>
    %broadcast_in_dim3A_11 = vector.shape_cast %reduce_sum3A_10 : vector<2048xf32> to vector<1x2048xf32>
    %convert_element_type3A = arith.truncf %transpose3A : vector<2048x64xf32> to vector<2048x64xbf16>
    %mul3A_12 = arith.constant 2.000000e+00 : bf16
    %mul3A_13 = vector.broadcast %mul3A_12 : bf16 to vector<2048x64xbf16>
    %mul3A_14 = arith.mulf %convert_element_type3A, %mul3A_13 : vector<2048x64xbf16>
    %dot_general3A = arith.constant dense<0.000000e+00> : vector<2048x2048xf32>
    %dot_general3A_15 = tpu.matmul %mul3A_14, %get3A_6, %dot_general3A {dimension_numbers = #tpu.dot_dimension_numbers<[1], [0], [0], [1], [0, 0, 1, 1], [], []>, transpose_lhs_hint = false} : vector<2048x64xbf16>, vector<64x2048xf32>, vector<2048x2048xf32> -> vector<2048x2048xf32>
    %sub3A = vector.broadcast %broadcast_in_dim3A : vector<2048x1xf32> to vector<2048x2048xf32>
    %sub3A_16 = arith.subf %sub3A, %dot_general3A_15 : vector<2048x2048xf32>
    %add3A = vector.broadcast %broadcast_in_dim3A_11 : vector<1x2048xf32> to vector<2048x2048xf32>
    %add3A_17 = arith.addf %sub3A_16, %add3A : vector<2048x2048xf32>
    %argmin3A = tpu.reduce_index %add3A_17 {axis = 1 : i32, kind = #tpu.reduction_kind<arg_min>} : vector<2048x2048xf32> -> vector<2048xi32>
    %swap3A = arith.constant 0 : index
    %swap3A_18 = arith.constant 0 : index
    %swap3A_19 = arith.constant 0 : index
    %swap3A_20 = vector.load %arg3[%swap3A, %swap3A_18, %swap3A_19] : memref<1x1x2048xi32, #tpu.memory_space<vmem>>, vector<1x1x2048xi32>
    %swap3A_21 = vector.shape_cast %swap3A_20 : vector<1x1x2048xi32> to vector<2048xi32>
    %swap3A_22 = vector.shape_cast %argmin3A : vector<2048xi32> to vector<1x1x2048xi32>
    tpu.vector_store %arg3[%swap3A, %swap3A_18, %swap3A_19], %swap3A_22 {strides = array<i32>} : memref<1x1x2048xi32, #tpu.memory_space<vmem>>, vector<1x1x2048xi32>,
    return
  }
  func.func @transform_0(%arg0: i32) -> (i32, i32, i32) {
    %c0_i32 = arith.constant 0 : i32
    %c0_i32_0 = arith.constant 0 : i32
    %c0_i32_1 = arith.constant 0 : i32
    return %c0_i32, %c0_i32_0, %arg0 : i32, i32, i32
  }
  func.func @transform_1(%arg0: i32) -> (i32, i32) {
    %c0_i32 = arith.constant 0 : i32
    %c0_i32_0 = arith.constant 0 : i32
    %c0_i32_1 = arith.constant 0 : i32
    return %c0_i32, %c0_i32_0 : i32, i32
  }
  func.func @transform_2(%arg0: i32) -> (i32, i32, i32) {
    %c0_i32 = arith.constant 0 : i32
    %c0_i32_0 = arith.constant 0 : i32
    %c0_i32_1 = arith.constant 0 : i32
    return %arg0, %c0_i32, %c0_i32_0 : i32, i32, i32
  }
}

module attributes {stable_mosaic.version = 14 : i64} {
  func.func @_st_loss_kernel(%arg0: i32, %arg1: memref<1x64x2048xf32, #tpu.memory_space<vmem>>, %arg2: memref<2048x128xf32, #tpu.memory_space<vmem>>, %arg3: memref<1x64x2048xf32, #tpu.memory_space<vmem>>, %arg4: memref<1x1x1xf32, #tpu.memory_space<vmem>>) attributes {dimension_semantics = [#tpu.dimension_semantics<arbitrary>], iteration_bounds = array<i64: 8>, scalar_prefetch = 0 : i64, scratch_operands = 0 : i64, tpu.core_type = #tpu.core_type<tc>, window_params = [{transform_indices = @transform_0, window_bounds = array<i64: 1, 64, 2048>}, {transform_indices = @transform_1, window_bounds = array<i64: 2048, 128>}, {transform_indices = @transform_2, window_bounds = array<i64: 1, 64, 2048>}, {transform_indices = @transform_3, window_bounds = array<i64: 1, 1, 1>}]} {
    %get3A = arith.constant 0 : index
    %get3A_0 = arith.constant 0 : index
    %get3A_1 = arith.constant 0 : index
    %get3A_2 = vector.load %arg1[%get3A, %get3A_0, %get3A_1] : memref<1x64x2048xf32, #tpu.memory_space<vmem>>, vector<1x64x2048xf32>
    %get3A_3 = vector.shape_cast %get3A_2 : vector<1x64x2048xf32> to vector<64x2048xf32>
    %get3A_4 = arith.constant 0 : index
    %get3A_5 = arith.constant 0 : index
    %get3A_6 = vector.load %arg2[%get3A_4, %get3A_5] : memref<2048x128xf32, #tpu.memory_space<vmem>>, vector<2048x64xf32>
    %transpose3A = tpu.transpose %get3A_6, [1, 0] : vector<2048x64xf32> -> vector<64x2048xf32>
    %sub3A = arith.subf %transpose3A, %get3A_3 : vector<64x2048xf32>
    %add3A = arith.addf %get3A_3, %sub3A : vector<64x2048xf32>
    %swap3A = arith.constant 0 : index
    %swap3A_7 = arith.constant 0 : index
    %swap3A_8 = arith.constant 0 : index
    %swap3A_9 = vector.load %arg3[%swap3A, %swap3A_7, %swap3A_8] : memref<1x64x2048xf32, #tpu.memory_space<vmem>>, vector<1x64x2048xf32>
    %swap3A_10 = vector.shape_cast %swap3A_9 : vector<1x64x2048xf32> to vector<64x2048xf32>
    %swap3A_11 = vector.shape_cast %add3A : vector<64x2048xf32> to vector<1x64x2048xf32>
    tpu.vector_store %arg3[%swap3A, %swap3A_7, %swap3A_8], %swap3A_11 {strides = array<i32>} : memref<1x64x2048xf32, #tpu.memory_space<vmem>>, vector<1x64x2048xf32>,
    %sub3A_12 = arith.subf %get3A_3, %transpose3A : vector<64x2048xf32>
    %mul3A = arith.mulf %sub3A_12, %sub3A_12 : vector<64x2048xf32>
    %reduce_sum3A = vector.shape_cast %mul3A : vector<64x2048xf32> to vector<1x64x2048xf32>
    %reduce_sum3A_13 = arith.constant dense<0.000000e+00> : vector<1xf32>
    %reduce_sum3A_14 = vector.multi_reduction <add>, %reduce_sum3A, %reduce_sum3A_13 [1, 2] : vector<1x64x2048xf32> to vector<1xf32>
    %reduce_sum3A_15 = vector.shape_cast %reduce_sum3A_14 : vector<1xf32> to vector<1x1x1xf32>
    %reduce_sum3A_16 = vector.extract %reduce_sum3A_15[0, 0, 0] : f32 from vector<1x1x1xf32>
    %reshape3A = vector.broadcast %reduce_sum3A_16 : f32 to vector<1x1x1xf32>
    %swap3A_17 = arith.constant 0 : index
    %swap3A_18 = arith.constant 0 : index
    %swap3A_19 = arith.constant 0 : index
    %swap3A_20 = vector.load %arg4[%swap3A_17, %swap3A_18, %swap3A_19] : memref<1x1x1xf32, #tpu.memory_space<vmem>>, vector<1x1x1xf32>
    tpu.vector_store %arg4[%swap3A_17, %swap3A_18, %swap3A_19], %reshape3A {strides = array<i32>} : memref<1x1x1xf32, #tpu.memory_space<vmem>>, vector<1x1x1xf32>,
    return
  }
  func.func @transform_0(%arg0: i32) -> (i32, i32, i32) {
    %c0_i32 = arith.constant 0 : i32
    %c0_i32_0 = arith.constant 0 : i32
    %c0_i32_1 = arith.constant 0 : i32
    return %c0_i32, %c0_i32_0, %arg0 : i32, i32, i32
  }
  func.func @transform_1(%arg0: i32) -> (i32, i32) {
    %c0_i32 = arith.constant 0 : i32
    %c0_i32_0 = arith.constant 0 : i32
    return %arg0, %c0_i32 : i32, i32
  }
  func.func @transform_2(%arg0: i32) -> (i32, i32, i32) {
    %c0_i32 = arith.constant 0 : i32
    %c0_i32_0 = arith.constant 0 : i32
    %c0_i32_1 = arith.constant 0 : i32
    return %c0_i32, %c0_i32_0, %arg0 : i32, i32, i32
  }
  func.func @transform_3(%arg0: i32) -> (i32, i32, i32) {
    %c0_i32 = arith.constant 0 : i32
    %c0_i32_0 = arith.constant 0 : i32
    %c0_i32_1 = arith.constant 0 : i32
    return %arg0, %c0_i32, %c0_i32_0 : i32, i32, i32
  }
}

</mosaic_0001>

<sc_bundles>
// kernel: kernel.11.cloned.1.call-start
scs
__scs_entry_jumppad:
0x0: {  	(pc) =	sbr.rel $0x88, $3  }
0x1: {  	(tag) =	ssettag $0x0;
	lr =	simm.s32 $0x1  }
0x2: {  	[smem:$0x3F9F] =	sst lr;
	_ =	strace $0xD0000000  }
0x3: {  	_ = 	snop  }
0x4: {  	_ = 	snop  }
0x5: {  	_ = 	snop  }
0x6: {  	_ = 	snop  }
0x7: {  	_ = 	snop  }
__scs_overlays_trampoline_lowered:
0x8: {  	[smem:$0x3FAE] =	sst s0  }
0x9: {  	[smem:$0x3FAF] =	sst s1  }
0xa: {  	[smem:$0x3FB0] =	sst s2  }
0xb: {  	[smem:$0x3FB1] =	sst s3  }
0xc: {  	[smem:$0x3FB2] =	sst s4  }
0xd: {  	[smem:$0x3FB3] =	sst s5  }
0xe: {  	[smem:$0x3FB4] =	sst s6  }
0xf: {  	[smem:$0x3FB5] =	sst s7  }
0x10: {  	[smem:$0x3FB6] =	sst s8  }
0x11: {  	[smem:$0x3FB7] =	sst s9;
	s0 =	simm.s32 @!p0 $0x0  }
0x12: {  	s1 =	sld [smem:$0x3F9D];
	s0 =	simm.s32 @p0 $0x1  }
0x13: {  	[smem:$0x3FB8] =	sst s0;
	s0 =	simm.s32 @!p1 $0x0  }
0x14: {  	s2 =	sld [smem:$0x3F9C];
	s0 =	simm.s32 @p1 $0x1  }
0x15: {  	[smem:$0x3FB9] =	sst s0;
	s0 =	simm.s32 @!p2 $0x0  }
0x16: {  	s3 =	sld [smem:$0x3FDB];
	s0 =	simm.s32 @p2 $0x1  }
0x17: {  	s4 =	simm.s32 $0x1BF5;
	[smem:$0x3FBB] =	sst s0  }
0x18: {  	s0 =	sld [smem:$0x3F9E];
	_ =	swait.ge [sflag:s4], $0x0  }
0x19: {  	s7 =	sld [smem:$0x3F9F]  }
0x1a: {  	s8 =	sadd.s32 $0xFFFFE003, lr  }
0x1b: {  	s9 =	sadd.s32 $0xFFFFFEF7, lr;
	s5 =	simm.s32 $0xFFFFFFFF;
	p2 =	slt.u32 s8, $0xFFFFF086  }
0x1c: {  	p1 =	slt.u32 s9, $0xF7A;
	s5 =	simm.s32 @!p2 $0x0  }
0x1d: {  	s5 =	simm.s32 @p1 $0x1;
	p0 =	seq.s32 s7, s2  }
0x1e: {  	s7 =	smul.u32 @!p0 $0xF7A, s2;
	p2 =	seq.s32 @!p0 s5, $0x0  }
0x1f: {  	s9 =	smul.u32 $0xF7A, s1;
	s8 =	simm.s32 @!p0 $0x1BF5;
	p2 =	por !p2, p0  }
0x20: {  	[sflag:s8] =	ssyncset.s32 @!p0 $0xFFFFF086;
	s6 =	sadd.s32 @!p0 s3, s7;
	s7 =	simm.s32 @!p0 $0x108  }
0x21: {  	s3 =	sadd.s32 s3, s9;
	s6 =	sadd.s32 @!p0 $0x88, s6;
	s7 =	simm.s32 @p2 $0x1082  }
0x22: {  	[simem:s7], [sflag:s8] =	dma.local @!p0 [hbm:s6], $0xF7A  }
0x23: {  	s9 =	sor.u32 $0xD0000000, s2;
	s6 =	simm.s32 $0x108;
	_ =	swait.ge @!p0 [sflag:s8], $0x0  }
0x24: {  	s3 =	sadd.s32 $0x88, s3;
	s6 =	simm.s32 @!p1 $0x1082;
	[sflag:s4] =	ssyncset.s32 $0xFFFFF086  }
0x25: {  	[simem:s6], [sflag:s4] =	dma.local [hbm:s3], $0xF7A  }
0x26: {  	[smem:$0x3F9F] =	sst s1;
	(tag) =	ssettag s2;
	_ =	strace s9  }
0x27: {  	s1 =	sld [smem:$0x3FAF]  }
0x28: {  	s2 =	sld [smem:$0x3FB0]  }
0x29: {  	s4 =	sld [smem:$0x3FB2]  }
0x2a: {  	p0 =	seq.s32 s5, $0x0;
	s5 =	sld [smem:$0x3FB3]  }
0x2b: {  	s6 =	sld [smem:$0x3FB4]  }
0x2c: {  	s7 =	sld [smem:$0x3FB5]  }
0x2d: {  	s3 =	simm.s32 $0x108;
	s8 =	sld [smem:$0x3FB6]  }
0x2e: {  	s3 =	simm.s32 @!p0 $0x1082;
	s9 =	sld [smem:$0x3FB7]  }
0x2f: {  	lr =	sadd.s32 s0, s3;
	s0 =	sld [smem:$0x3FAE]  }
0x30: {  	s3 =	sld [smem:$0x3FB1]  }
0x31: {  	[smem:$0x3FBA] =	sst s10  }
0x32: {  	s10 =	sld [smem:$0x3FB8];
	_ =	sdelay $0x3  }
0x33: {  	p0 =	seq.s32 s10, $0x1;
	s10 =	sld [smem:$0x3FBA];
	_ =	sdelay $0x3  }
0x34: {  	[smem:$0x3FBA] =	sst s10  }
0x35: {  	s10 =	sld [smem:$0x3FB9];
	_ =	sdelay $0x3  }
0x36: {  	p1 =	seq.s32 s10, $0x1;
	s10 =	sld [smem:$0x3FBA];
	_ =	sdelay $0x3  }
0x37: {  	[smem:$0x3FBA] =	sst s10  }
0x38: {  	s10 =	sld [smem:$0x3FBB]  }
0x39: {  	_ = 	snop;
	(pc) =	sbr.ind lr, $3  }
0x3a: {  	_ = 	snop  }
0x3b: {  	_ = 	snop  }
0x3c: {  	p2 =	seq.s32 s10, $0x1;
	s10 =	sld [smem:$0x3FBA]  }
0x3d: {  	_ =	shalt  }
0x3e: {  	_ =	shalt  }
0x3f: {  	_ =	shalt  }
0x40: {  	_ =	shalt  }
0x41: {  	_ =	shalt  }
0x42: {  	_ =	shalt  }
0x43: {  	_ =	shalt  }
0x44: {  	_ =	shalt  }
0x45: {  	_ =	shalt  }
0x46: {  	_ =	shalt  }
0x47: {  	_ =	shalt  }
0x48: {  	_ =	shalt  }
0x49: {  	_ =	shalt  }
0x4a: {  	_ =	shalt  }
0x4b: {  	_ =	shalt  }
0x4c: {  	_ =	shalt  }
0x4d: {  	_ =	shalt  }
0x4e: {  	_ =	shalt  }
0x4f: {  	_ =	shalt  }
0x50: {  	_ =	shalt  }
0x51: {  	_ =	shalt  }
0x52: {  	_ =	shalt  }
0x53: {  	_ =	shalt  }
0x54: {  	_ =	shalt  }
0x55: {  	_ =	shalt  }
0x56: {  	_ =	shalt  }
0x57: {  	_ =	shalt  }
0x58: {  	_ =	shalt  }
0x59: {  	_ =	shalt  }
0x5a: {  	_ =	shalt  }
0x5b: {  	_ =	shalt  }
0x5c: {  	_ =	shalt  }
0x5d: {  	_ =	shalt  }
0x5e: {  	_ =	shalt  }
0x5f: {  	_ =	shalt  }
0x60: {  	_ =	shalt  }
0x61: {  	_ =	shalt  }
0x62: {  	_ =	shalt  }
0x63: {  	_ =	shalt  }
0x64: {  	_ =	shalt  }
0x65: {  	_ =	shalt  }
0x66: {  	_ =	shalt  }
0x67: {  	_ =	shalt  }
0x68: {  	_ =	shalt  }
0x69: {  	_ =	shalt  }
0x6a: {  	_ =	shalt  }
0x6b: {  	_ =	shalt  }
0x6c: {  	_ =	shalt  }
0x6d: {  	_ =	shalt  }
0x6e: {  	_ =	shalt  }
0x6f: {  	_ =	shalt  }
0x70: {  	_ =	shalt  }
0x71: {  	_ =	shalt  }
0x72: {  	_ =	shalt  }
0x73: {  	_ =	shalt  }
0x74: {  	_ =	shalt  }
0x75: {  	_ =	shalt  }
0x76: {  	_ =	shalt  }
0x77: {  	_ =	shalt  }
0x78: {  	_ =	shalt  }
0x79: {  	_ =	shalt  }
0x7a: {  	_ =	shalt  }
0x7b: {  	_ =	shalt  }
0x7c: {  	_ =	shalt  }
0x7d: {  	_ =	shalt  }
0x7e: {  	_ =	shalt  }
0x7f: {  	_ =	shalt  }
0x80: {  	_ =	shalt  }
0x81: {  	_ =	shalt  }
0x82: {  	_ =	shalt  }
0x83: {  	_ =	shalt  }
0x84: {  	_ =	shalt  }
0x85: {  	_ =	shalt  }
0x86: {  	_ =	shalt  }
0x87: {  	_ =	shalt  }
.Lfunc_end0:
.L_simem_size_0:
called_computation.1_lowered:
.L_overlay_start_0:
0x88: {  	s2 =	sld [smem:$0x3FD9]  }
0x89: {  	s3 =	sld [smem:$0x3FFE];
	_ =	sdelay $0x1  }
0x8a: {  	s1 =	srdreg.scid  }
0x8b: {  	s0 =	sand.u32 $0x1, s1  }
0x8c: {  	s15 =	sshll.u32 s0, $0xA;
	s2 =	sadd.s32 s3, s2  }
0x8d: {  	s2 =	sadd.s32 s2, s15  }
0x8e: {  	[smem:$0x3FC6] =	sst s2  }
0x8f: {  	_ = 	snop  }
0x90: {  	s2 =	sld [smem:$0x3FD0];
	_ =	sdelay $0x2  }
0x91: {  	s16 =	simm.s32 $0xB;
	s4 =	simm.s32 $0x10  }
0x92: {  	[smem:s4], [sflag:s16] =	dma.local [hbm:s2], $0x1  }
0x93: {  	_ =	swait.eq [sflag:s16], $0x1  }
0x94: {  	[sflag:s16] =	ssyncset.done $0x0  }
0x95: {  	[sflag:s16] =	ssyncadd.s32 $0xFFFFFFFF  }
0x96: {  	s17 =	sld [smem:$0x10];
	(tm) =	ssettm $0x1  }
0x97: {  	s18 =	sld [smem:$0x3FFB];
	_ =	sdelay $0x3  }
0x98: {  	_ =	strace s18  }
0x99: {  	s2 =	sld [smem:$0x3FFC];
	_ =	sdelay $0x3  }
0x9a: {  	_ =	strace s2  }
0x9b: {  	s2 =	sld [smem:$0x3FFD];
	_ =	sdelay $0x3  }
0x9c: {  	_ =	strace s2  }
0x9d: {  	_ =	strace $0x8FFFFFFF  }
0x9e: {  	s19 =	sld [smem:$0x3FDB];
	_ =	sdelay $0x1  }
0x9f: {  	s20 =	simm.s32 $_scs_section_size  }
0xa0: {  	s5 =	simm.s32 $_size__tile_overlayer_lowered;
	s6 =	simm.s32 $_tile_overlayer_lowered  }
0xa1: {  	s7 =	simm.s32 $0x1BFF;
	s21 =	sshll.u32 s6, $0x1;
	s4 =	sadd.s32 s20, s19  }
0xa2: {  	s22 =	simm.s32 $0x0;
	s5 =	sshll.u32 s5, $0x1;
	s6 =	sadd.s32 s21, s4  }
0xa3: {  	[timem:s22], [sflag:s7] =	dma.local [hbm:s6], s5  }
0xa4: {  	_ =	swait.ge [sflag:s7], s5  }
0xa5: {  	s5 =	ssub.s32 $0x0, s5;
	[sflag:s7] =	ssyncset.done $0x0  }
0xa6: {  	[sflag:s7] =	ssyncadd.s32 s5;
	_ =	sdelay $0x1  }
0xa7: {  	s23 =	simm.s32 $0x1B8B  }
0xa8: {  	_ =	swait.ge [sflag:s23], $0x1  }
0xa9: {  	[sflag:s23] =	ssyncset.done $0x0  }
0xaa: {  	[sflag:s23] =	ssyncadd.s32 $0xFFFFFFFF  }
0xab: {  	s5 =	sld [smem:$0x0]  }
0xac: {  	s6 =	sand.u32 $0xFFFFFFFE, s1  }
0xad: {  	p0 =	sne.s32 s1, s6  }
0xae: {  	s6 =	sshll.u32 @p0 s6, $0xE  }
0xaf: {  	s6 =	sadd.s32 @p0 $0x11B8D, s6;
	s7 =	sshll.u32 @p0 s5, $0x11  }
0xb0: {  	s6 =	sor.u32 @p0 s7, s6  }
0xb1: {  	[sflag:s6] =	ssyncadd.remote.s32 @p0 $0x1;
	_ =	sdelay $0x1  }
0xb2: {  	s6 =	simm.s32 @p0 $0x1B8D  }
0xb3: {  	_ =	swait.eq @p0 [sflag:s6], $0x1  }
0xb4: {  	[sflag:s6] =	ssyncadd.s32 @p0 $0xFFFFFFFF  }
0xb5: {  	s7 =	sshll.u32 @!p0 s1, $0xE  }
0xb6: {  	s7 =	sor.u32 @!p0 $0x4000, s7;
	s6 =	simm.s32 @!p0 $0x1B8D  }
0xb7: {  	s5 =	sshll.u32 @!p0 s5, $0x11;
	s7 =	sadd.s32 @!p0 $0x11B8D, s7;
	_ =	swait.eq @!p0 [sflag:s6], $0x1  }
0xb8: {  	s5 =	sor.u32 @!p0 s5, s7;
	[sflag:s6] =	ssyncadd.s32 @!p0 $0xFFFFFFFF  }
0xb9: {  	s25 =	simm.s32 $0x1B8E;
	s24 =	sld [smem:$0x3FFE];
	[sflag:s5] =	ssyncadd.remote.s32 @!p0 $0x1  }
0xba: {  	s26 =	simm.s32 $execute0_lowered;
	[smem:$0x3FD2] =	sst s25  }
0xbb: {  	s6 =	sshll.u32 s26, $0x1;
	_ =	strace $0x80000049;
	[dreg:$0x1] =	wrdreg $0xFFFFFFFF  }
0xbc: {  	s28 =	simm.s32 $_size_execute0_lowered;
	s4 =	sadd.s32 s4, s6;
	[dreg:$0x0] =	wrdreg $0x0  }
0xbd: {  	s6 =	sshll.u32 s28, $0x1;
	[dreg:$0x2] =	wrdreg s4  }
0xbe: {  	[dreg:$0x3] =	wrdreg s6  }
0xbf: {  	[dreg:$0x4] =	wrdreg $0xC0  }
0xc0: {  	_ =	task [dreg:s22], $0x5FFFF  }
0xc1: {  	[dreg:$0x1] =	wrdreg $0xFFFFFFFF  }
0xc2: {  	[dreg:$0x0] =	wrdreg $0x60  }
0xc3: {  	[dreg:$0x2] =	wrdreg s24  }
0xc4: {  	[dreg:$0x3] =	wrdreg s17  }
0xc5: {  	[dreg:$0x4] =	wrdreg $0xA  }
0xc6: {  	_ =	task.clear_ibuf [dreg:s22], $0x5FFFF;
	_ =	strace $0x90000049  }
0xc7: {  	s29 =	simm.s32 $0xA;
	_ =	strace $0x8000004B  }
0xc8: {  	_ =	swait.ge [sflag:s29], $0x1  }
0xc9: {  	[sflag:s29] =	ssyncadd.s32 $0xFFFFFFFF  }
0xca: {  	_ =	strace $0x9000004B  }
0xcb: {  	_ =	sfence  }
0xcc: {  	s30 =	sld [smem:$0x0];
	_ =	sdelay $0x2  }
0xcd: {  	s31 =	sshll.u32 s1, $0xD;
	s1 =	sshrl.u32 s1, $0x2  }
0xce: {  	s4 =	sand.u32 $0x4000, s31;
	s1 =	sadd.s32 s1, s30  }
0xcf: {  	s0 =	sor.u32 s4, s0;
	s1 =	sshll.u32 s1, $0x11  }
0xd0: {  	s0 =	sor.u32 s1, s0  }
0xd1: {  	s0 =	sadd.s32 $0x8F2B, s0  }
0xd2: {  	[sflag:s0] =	ssyncadd.remote.s32 $0x1  }
0xd3: {  	_ =	sfence.sel $0xFFFF  }
0xd4: {  	[dreg:$0x0] =	wrdreg $0xFFFFFFFF;
	(pc) =	sbr.abs _section_cstart, $3  }
0xd5: {  	[dreg:$0x1] =	wrdreg $0xFFFFFFFF  }
0xd6: {  	_ =	task.clear_ibuf [dreg:s22], $0x2FFFF;
	_ =	strace $0x9FFFFFFF  }
0xd7: {  	(tm) =	ssettm $0x7FFFFFFF  }
tec
execute0_lowered:
.L_overlay_start_1:
0x0: {  	(tag) =	ssettag $0x1  }
0x1: {  	s1 =	srdreg.scid  }
0x2: {  	s0 =	stileid.u32;
	s10 =	sand.u32 $0x1, s1  }
0x3: {  	s5 =	rddreg [dreg:$0x0];
	s30 =	sshll.u32 s0, $0xA;
	s2 =	sshll.u32 s10, $0x9  }
0x4: {  	s9 =	rddreg [dreg:$0x1];
	s11 =	sor.u32 s2, s30  }
0x5: {  	s1 =	rddreg [dreg:$0x2];
	s2 =	simm.s32 $0x0;
	s3 =	sshrl.u32 s11, $0x3  }
0x6: {  	[smem:$0x7FF] =	sst s2;
	s3 =	sadd.s32 s3, s5  }
0x7: {  	_ =	strace $0x8000004A;
	s4 =	sadd.s32 $0x49400, s3;
	s3 =	simm.s32 $0x2  }
0x8: {  	[tilespmem:s2], [sflag:$0x2] =	stream.linear.gather [hbm4b:s4+s2], $0x200, $0x38;
	[tilespmem:$0x8200] =	vst v63  }
0x9: {  	_ =	swait.ge [sflag:s3], $0x200  }
0xa: {  	s6 =	simm.s32 $0x100;
	s7 =	simm.s32 $0x200;
	[sflag:s3] =	ssyncset.done $0x0  }
0xb: {  	s8 =	simm.s32 $0x1;
	s5 =	sadd.s32 $0x1400, s5;
	[sflag:s3] =	ssyncadd.s32 $0xFFFFFE00  }
0xc: {  	[tilespmem:s7], [sflag:$0x1] =	stream.indirect.gather [hbm4b:s5+s6], $0x80, s2, s6, $0xb8;
	[tilespmem:$0x8200] =	vst v63  }
0xd: {  	_ =	swait.ge [sflag:s8], $0x8000  }
0xe: {  	s11 =	sshll.u32 s11, $0x4;
	[sflag:s8] =	ssyncset.done $0x0  }
0xf: {  	s10 =	ssub.s32 $0x2, s10;
	s9 =	sadd.s32 s9, s11;
	[sflag:s8] =	ssyncadd.s32 $0xFFFF8000  }
0x10: {  	[hbm4b:s9+s2] =	stream.linear.scatter [tilespmem:s7], [sflag:$0x2], $0x8000, $0x38;
	[tilespmem:$0x8200] =	vst v63  }
0x11: {  	s31 =	sshrl.u32 s10, $0x1;
	_ =	swait.ge [sflag:s3], $0x8000  }
0x12: {  	s11 =	ssub.s32 s10, s31;
	[sflag:s3] =	ssyncset.done $0x0  }
0x13: {  	s11 =	smax.u32 s11, $0x1;
	[sflag:s3] =	ssyncadd.s32 $0xFFFF8000  }
0x14: {  	[tilespmem:s7], [sflag:$0x1] =	stream.indirect.gather [hbm4b:s5+s6], $0x80, s6, s6, $0xb8;
	[tilespmem:$0x8200] =	vst v63  }
0x15: {  	p0 =	sne.s32 s11, $0x1;
	_ =	swait.ge [sflag:s8], $0x8000  }
.Ltmp0:
0x16: {  	[sflag:s8] =	ssyncset.done $0x0;
	(pc) =	sbr.rel @!p0 .LBB2_2-.Ltmp0, $4  }
0x17: {  	s10 =	sadd.s32 $0x1000, s9;
	[sflag:s8] =	ssyncadd.s32 $0xFFFF8000  }
0x18: {  	[hbm4b:s10+s2] =	stream.linear.scatter [tilespmem:s7], [sflag:$0x2], $0x8000, $0x38;
	[tilespmem:$0x8200] =	vst v63  }
0x19: {  	_ =	swait.ge [sflag:s3], $0x8000  }
0x1a: {  	s11 =	sadd.s32 $0xFFFFFFFF, s11;
	[sflag:s3] =	ssyncset.done $0x0  }
.LBB2_1:
0x1b: {  	p0 =	sne.s32 s11, $0x1;
	s11 =	sadd.s32 $0xFFFFFFFF, s11;
	[sflag:s3] =	ssyncadd.s32 $0xFFFF8000  }
0x1c: {  	[tilespmem:s2], [sflag:$0x2] =	stream.linear.gather [hbm4b:s4+s2], $0x200, $0x38;
	[tilespmem:$0x8200] =	vst v63  }
0x1d: {  	_ =	swait.ge [sflag:s3], $0x200  }
0x1e: {  	[sflag:s3] =	ssyncset.done $0x0  }
0x1f: {  	[sflag:s3] =	ssyncadd.s32 $0xFFFFFE00  }
0x20: {  	[tilespmem:s7], [sflag:$0x1] =	stream.indirect.gather [hbm4b:s5+s6], $0x80, s2, s6, $0xb8;
	[tilespmem:$0x8200] =	vst v63  }
0x21: {  	_ =	swait.ge [sflag:s8], $0x8000  }
0x22: {  	[sflag:s8] =	ssyncset.done $0x0  }
0x23: {  	[sflag:s8] =	ssyncadd.s32 $0xFFFF8000  }
0x24: {  	[hbm4b:s9+s2] =	stream.linear.scatter [tilespmem:s7], [sflag:$0x2], $0x8000, $0x38;
	[tilespmem:$0x8200] =	vst v63  }
0x25: {  	_ =	swait.ge [sflag:s3], $0x8000  }
0x26: {  	[sflag:s3] =	ssyncset.done $0x0  }
0x27: {  	[sflag:s3] =	ssyncadd.s32 $0xFFFF8000  }
0x28: {  	[tilespmem:s7], [sflag:$0x1] =	stream.indirect.gather [hbm4b:s5+s6], $0x80, s6, s6, $0xb8;
	[tilespmem:$0x8200] =	vst v63  }
0x29: {  	_ =	swait.ge [sflag:s8], $0x8000  }
.Ltmp1:
0x2a: {  	[sflag:s8] =	ssyncset.done $0x0;
	(pc) =	sbr.rel @p0 .LBB2_1-.Ltmp1, $4  }
0x2b: {  	[sflag:s8] =	ssyncadd.s32 $0xFFFF8000  }
0x2c: {  	[hbm4b:s10+s2] =	stream.linear.scatter [tilespmem:s7], [sflag:$0x2], $0x8000, $0x38;
	[tilespmem:$0x8200] =	vst v63  }
0x2d: {  	_ =	swait.ge [sflag:s3], $0x8000  }
0x2e: {  	[sflag:s3] =	ssyncset.done $0x0  }
.LBB2_2:
0x2f: {  	[sflag:s3] =	ssyncadd.s32 $0xFFFF8000  }
0x30: {  	_ =	sfence.sel $0x180000  }
0x31: {  	[bflag:$0x0] =	sbarrier.arrive $0xFFFF  }
0x32: {  	p0 =	sne.s32 s0, $0x0;
	_ =	strace $0x9000004A  }
0x33: {  	s0 =	sadd.s32 @!p0 $0x100000, s1;
	[bflag:$0x2] =	sbarrier.arrive $0xFFFF  }
0x34: {  	[sflag:s0] =	ssyncadd.tile.s32 @!p0 $0x1;
	_ =	shalt  }
.Lfunc_end2:
_tile_overlayer_lowered:
.L_overlay_start_2:
0x35: {  	(tag) =	ssettag $0x2  }
0x36: {  	s0 =	rddreg [dreg:$0x0];
	s2 =	stileid.u32  }
0x37: {  	s1 =	rddreg [dreg:$0x1];
	p0 =	sne.s32 s2, $0x0  }
0x38: {  	s3 =	rddreg [dreg:$0x2];
	[bflag:$0x3] =	sbarrier.arrive $0xFFFF;
	s2 =	simm.s32 @!p0 $0x1C02  }
0x39: {  	[timem:s3], [sflag:s2] =	dma.local @!p0 [hbm:s0], s1  }
0x3a: {  	s0 =	simm.s32 @!p0 $0x2  }
0x3b: {  	_ =	swait.ge @!p0 [sflag:s0], s1  }
0x3c: {  	s1 =	ssub.s32 @!p0 $0x0, s1;
	[sflag:s0] =	ssyncset.done @!p0 $0x0  }
0x3d: {  	[sflag:s0] =	ssyncadd.s32 @!p0 s1  }
0x3e: {  	[bflag:$0x3] =	sbarrier.arrive $0xFFFF  }
0x3f: {  	_ =	shalt  }

// kernel: kernel.8.cloned.1.call-start
scs
__scs_entry_jumppad:
0x0: {  	(pc) =	sbr.rel $0x88, $3  }
0x1: {  	(tag) =	ssettag $0x0;
	lr =	simm.s32 $0x1  }
0x2: {  	[smem:$0x3F9F] =	sst lr;
	_ =	strace $0xD0000000  }
0x3: {  	_ = 	snop  }
0x4: {  	_ = 	snop  }
0x5: {  	_ = 	snop  }
0x6: {  	_ = 	snop  }
0x7: {  	_ = 	snop  }
__scs_overlays_trampoline_lowered:
0x8: {  	[smem:$0x3FAE] =	sst s0  }
0x9: {  	[smem:$0x3FAF] =	sst s1  }
0xa: {  	[smem:$0x3FB0] =	sst s2  }
0xb: {  	[smem:$0x3FB1] =	sst s3  }
0xc: {  	[smem:$0x3FB2] =	sst s4  }
0xd: {  	[smem:$0x3FB3] =	sst s5  }
0xe: {  	[smem:$0x3FB4] =	sst s6  }
0xf: {  	[smem:$0x3FB5] =	sst s7  }
0x10: {  	[smem:$0x3FB6] =	sst s8  }
0x11: {  	[smem:$0x3FB7] =	sst s9;
	s0 =	simm.s32 @!p0 $0x0  }
0x12: {  	s1 =	sld [smem:$0x3F9D];
	s0 =	simm.s32 @p0 $0x1  }
0x13: {  	[smem:$0x3FB8] =	sst s0;
	s0 =	simm.s32 @!p1 $0x0  }
0x14: {  	s2 =	sld [smem:$0x3F9C];
	s0 =	simm.s32 @p1 $0x1  }
0x15: {  	[smem:$0x3FB9] =	sst s0;
	s0 =	simm.s32 @!p2 $0x0  }
0x16: {  	s3 =	sld [smem:$0x3FDB];
	s0 =	simm.s32 @p2 $0x1  }
0x17: {  	s4 =	simm.s32 $0x1BF5;
	[smem:$0x3FBB] =	sst s0  }
0x18: {  	s0 =	sld [smem:$0x3F9E];
	_ =	swait.ge [sflag:s4], $0x0  }
0x19: {  	s7 =	sld [smem:$0x3F9F]  }
0x1a: {  	s8 =	sadd.s32 $0xFFFFE003, lr  }
0x1b: {  	s9 =	sadd.s32 $0xFFFFFEF7, lr;
	s5 =	simm.s32 $0xFFFFFFFF;
	p2 =	slt.u32 s8, $0xFFFFF086  }
0x1c: {  	p1 =	slt.u32 s9, $0xF7A;
	s5 =	simm.s32 @!p2 $0x0  }
0x1d: {  	s5 =	simm.s32 @p1 $0x1;
	p0 =	seq.s32 s7, s2  }
0x1e: {  	s7 =	smul.u32 @!p0 $0xF7A, s2;
	p2 =	seq.s32 @!p0 s5, $0x0  }
0x1f: {  	s9 =	smul.u32 $0xF7A, s1;
	s8 =	simm.s32 @!p0 $0x1BF5;
	p2 =	por !p2, p0  }
0x20: {  	[sflag:s8] =	ssyncset.s32 @!p0 $0xFFFFF086;
	s6 =	sadd.s32 @!p0 s3, s7;
	s7 =	simm.s32 @!p0 $0x108  }
0x21: {  	s3 =	sadd.s32 s3, s9;
	s6 =	sadd.s32 @!p0 $0x88, s6;
	s7 =	simm.s32 @p2 $0x1082  }
0x22: {  	[simem:s7], [sflag:s8] =	dma.local @!p0 [hbm:s6], $0xF7A  }
0x23: {  	s9 =	sor.u32 $0xD0000000, s2;
	s6 =	simm.s32 $0x108;
	_ =	swait.ge @!p0 [sflag:s8], $0x0  }
0x24: {  	s3 =	sadd.s32 $0x88, s3;
	s6 =	simm.s32 @!p1 $0x1082;
	[sflag:s4] =	ssyncset.s32 $0xFFFFF086  }
0x25: {  	[simem:s6], [sflag:s4] =	dma.local [hbm:s3], $0xF7A  }
0x26: {  	[smem:$0x3F9F] =	sst s1;
	(tag) =	ssettag s2;
	_ =	strace s9  }
0x27: {  	s1 =	sld [smem:$0x3FAF]  }
0x28: {  	s2 =	sld [smem:$0x3FB0]  }
0x29: {  	s4 =	sld [smem:$0x3FB2]  }
0x2a: {  	p0 =	seq.s32 s5, $0x0;
	s5 =	sld [smem:$0x3FB3]  }
0x2b: {  	s6 =	sld [smem:$0x3FB4]  }
0x2c: {  	s7 =	sld [smem:$0x3FB5]  }
0x2d: {  	s3 =	simm.s32 $0x108;
	s8 =	sld [smem:$0x3FB6]  }
0x2e: {  	s3 =	simm.s32 @!p0 $0x1082;
	s9 =	sld [smem:$0x3FB7]  }
0x2f: {  	lr =	sadd.s32 s0, s3;
	s0 =	sld [smem:$0x3FAE]  }
0x30: {  	s3 =	sld [smem:$0x3FB1]  }
0x31: {  	[smem:$0x3FBA] =	sst s10  }
0x32: {  	s10 =	sld [smem:$0x3FB8];
	_ =	sdelay $0x3  }
0x33: {  	p0 =	seq.s32 s10, $0x1;
	s10 =	sld [smem:$0x3FBA];
	_ =	sdelay $0x3  }
0x34: {  	[smem:$0x3FBA] =	sst s10  }
0x35: {  	s10 =	sld [smem:$0x3FB9];
	_ =	sdelay $0x3  }
0x36: {  	p1 =	seq.s32 s10, $0x1;
	s10 =	sld [smem:$0x3FBA];
	_ =	sdelay $0x3  }
0x37: {  	[smem:$0x3FBA] =	sst s10  }
0x38: {  	s10 =	sld [smem:$0x3FBB]  }
0x39: {  	_ = 	snop;
	(pc) =	sbr.ind lr, $3  }
0x3a: {  	_ = 	snop  }
0x3b: {  	_ = 	snop  }
0x3c: {  	p2 =	seq.s32 s10, $0x1;
	s10 =	sld [smem:$0x3FBA]  }
0x3d: {  	_ =	shalt  }
0x3e: {  	_ =	shalt  }
0x3f: {  	_ =	shalt  }
0x40: {  	_ =	shalt  }
0x41: {  	_ =	shalt  }
0x42: {  	_ =	shalt  }
0x43: {  	_ =	shalt  }
0x44: {  	_ =	shalt  }
0x45: {  	_ =	shalt  }
0x46: {  	_ =	shalt  }
0x47: {  	_ =	shalt  }
0x48: {  	_ =	shalt  }
0x49: {  	_ =	shalt  }
0x4a: {  	_ =	shalt  }
0x4b: {  	_ =	shalt  }
0x4c: {  	_ =	shalt  }
0x4d: {  	_ =	shalt  }
0x4e: {  	_ =	shalt  }
0x4f: {  	_ =	shalt  }
0x50: {  	_ =	shalt  }
0x51: {  	_ =	shalt  }
0x52: {  	_ =	shalt  }
0x53: {  	_ =	shalt  }
0x54: {  	_ =	shalt  }
0x55: {  	_ =	shalt  }
0x56: {  	_ =	shalt  }
0x57: {  	_ =	shalt  }
0x58: {  	_ =	shalt  }
0x59: {  	_ =	shalt  }
0x5a: {  	_ =	shalt  }
0x5b: {  	_ =	shalt  }
0x5c: {  	_ =	shalt  }
0x5d: {  	_ =	shalt  }
0x5e: {  	_ =	shalt  }
0x5f: {  	_ =	shalt  }
0x60: {  	_ =	shalt  }
0x61: {  	_ =	shalt  }
0x62: {  	_ =	shalt  }
0x63: {  	_ =	shalt  }
0x64: {  	_ =	shalt  }
0x65: {  	_ =	shalt  }
0x66: {  	_ =	shalt  }
0x67: {  	_ =	shalt  }
0x68: {  	_ =	shalt  }
0x69: {  	_ =	shalt  }
0x6a: {  	_ =	shalt  }
0x6b: {  	_ =	shalt  }
0x6c: {  	_ =	shalt  }
0x6d: {  	_ =	shalt  }
0x6e: {  	_ =	shalt  }
0x6f: {  	_ =	shalt  }
0x70: {  	_ =	shalt  }
0x71: {  	_ =	shalt  }
0x72: {  	_ =	shalt  }
0x73: {  	_ =	shalt  }
0x74: {  	_ =	shalt  }
0x75: {  	_ =	shalt  }
0x76: {  	_ =	shalt  }
0x77: {  	_ =	shalt  }
0x78: {  	_ =	shalt  }
0x79: {  	_ =	shalt  }
0x7a: {  	_ =	shalt  }
0x7b: {  	_ =	shalt  }
0x7c: {  	_ =	shalt  }
0x7d: {  	_ =	shalt  }
0x7e: {  	_ =	shalt  }
0x7f: {  	_ =	shalt  }
0x80: {  	_ =	shalt  }
0x81: {  	_ =	shalt  }
0x82: {  	_ =	shalt  }
0x83: {  	_ =	shalt  }
0x84: {  	_ =	shalt  }
0x85: {  	_ =	shalt  }
0x86: {  	_ =	shalt  }
0x87: {  	_ =	shalt  }
.Lfunc_end0:
.L_simem_size_0:
called_computation_lowered:
.L_overlay_start_0:
0x88: {  	s2 =	sld [smem:$0x3FD9]  }
0x89: {  	s3 =	sld [smem:$0x3FFE];
	_ =	sdelay $0x1  }
0x8a: {  	s1 =	srdreg.scid  }
0x8b: {  	s0 =	sand.u32 $0x1, s1  }
0x8c: {  	s16 =	sshll.u32 s0, $0xA;
	s2 =	sadd.s32 s3, s2  }
0x8d: {  	s2 =	sadd.s32 s2, s16  }
0x8e: {  	[smem:$0x3FC6] =	sst s2  }
0x8f: {  	_ = 	snop  }
0x90: {  	(tm) =	ssettm $0x1  }
0x91: {  	s17 =	sld [smem:$0x3FFB];
	_ =	sdelay $0x3  }
0x92: {  	_ =	strace s17  }
0x93: {  	s2 =	sld [smem:$0x3FFC];
	_ =	sdelay $0x3  }
0x94: {  	_ =	strace s2  }
0x95: {  	s2 =	sld [smem:$0x3FFD];
	_ =	sdelay $0x3  }
0x96: {  	_ =	strace s2  }
0x97: {  	_ =	strace $0x8FFFFFFF  }
0x98: {  	s18 =	sld [smem:$0x3FDB];
	_ =	sdelay $0x1  }
0x99: {  	s19 =	simm.s32 $_scs_section_size  }
0x9a: {  	s4 =	simm.s32 $_size__tile_overlayer_lowered;
	s5 =	simm.s32 $_tile_overlayer_lowered  }
0x9b: {  	s22 =	simm.s32 $0x1BFF;
	s21 =	sshll.u32 s5, $0x1;
	s2 =	sadd.s32 s19, s18  }
0x9c: {  	s6 =	simm.s32 $0x0;
	s20 =	sshll.u32 s4, $0x1;
	s4 =	sadd.s32 s21, s2  }
0x9d: {  	[timem:s6], [sflag:s22] =	dma.local [hbm:s4], s20  }
0x9e: {  	_ =	swait.ge [sflag:s22], s20  }
0x9f: {  	s3 =	ssub.s32 $0x0, s20;
	[sflag:s22] =	ssyncset.done $0x0  }
0xa0: {  	[sflag:s22] =	ssyncadd.s32 s3;
	_ =	sdelay $0x1  }
0xa1: {  	s23 =	simm.s32 $0x1B8B  }
0xa2: {  	_ =	swait.ge [sflag:s23], $0x1  }
0xa3: {  	[sflag:s23] =	ssyncset.done $0x0  }
0xa4: {  	s25 =	simm.s32 $0x1B8E;
	s24 =	sld [smem:$0x3FFE];
	[sflag:s23] =	ssyncadd.s32 $0xFFFFFFFF  }
0xa5: {  	s26 =	simm.s32 $execute0_lowered;
	[smem:$0x3FD2] =	sst s25  }
0xa6: {  	s4 =	sshll.u32 s26, $0x1;
	_ =	strace $0x80000046;
	[dreg:$0x1] =	wrdreg $0xFFFFFFFF  }
0xa7: {  	s28 =	simm.s32 $_size_execute0_lowered;
	s2 =	sadd.s32 s2, s4;
	[dreg:$0x0] =	wrdreg $0x0  }
0xa8: {  	s4 =	sshll.u32 s28, $0x1;
	[dreg:$0x2] =	wrdreg s2  }
0xa9: {  	[dreg:$0x3] =	wrdreg s4  }
0xaa: {  	[dreg:$0x4] =	wrdreg $0xC0  }
0xab: {  	_ =	task [dreg:s6], $0x5FFFF  }
0xac: {  	[dreg:$0x1] =	wrdreg $0xFFFFFFFF  }
0xad: {  	[dreg:$0x0] =	wrdreg $0x60  }
0xae: {  	[dreg:$0x2] =	wrdreg s24  }
0xaf: {  	[dreg:$0x3] =	wrdreg $0x9  }
0xb0: {  	_ =	task.clear_ibuf [dreg:s6], $0x4FFFF;
	_ =	strace $0x90000046  }
0xb1: {  	s29 =	simm.s32 $0x9;
	_ =	strace $0x80000048  }
0xb2: {  	_ =	swait.ge [sflag:s29], $0x1  }
0xb3: {  	[sflag:s29] =	ssyncadd.s32 $0xFFFFFFFF  }
0xb4: {  	_ =	strace $0x90000048  }
0xb5: {  	_ =	sfence  }
0xb6: {  	s30 =	sld [smem:$0x0];
	_ =	sdelay $0x2  }
0xb7: {  	s31 =	sshll.u32 s1, $0xD;
	s1 =	sshrl.u32 s1, $0x2  }
0xb8: {  	s3 =	sand.u32 $0x4000, s31;
	s1 =	sadd.s32 s1, s30  }
0xb9: {  	s0 =	sor.u32 s3, s0;
	s1 =	sshll.u32 s1, $0x11  }
0xba: {  	s0 =	sor.u32 s1, s0  }
0xbb: {  	s0 =	sadd.s32 $0x8F2B, s0  }
0xbc: {  	[sflag:s0] =	ssyncadd.remote.s32 $0x1  }
0xbd: {  	_ =	sfence.sel $0xFFFF  }
0xbe: {  	[dreg:$0x0] =	wrdreg $0xFFFFFFFF;
	(pc) =	sbr.abs _section_cstart, $3  }
0xbf: {  	[dreg:$0x1] =	wrdreg $0xFFFFFFFF  }
0xc0: {  	_ =	task.clear_ibuf [dreg:s6], $0x2FFFF;
	_ =	strace $0x9FFFFFFF  }
0xc1: {  	(tm) =	ssettm $0x7FFFFFFF  }
tec
execute0_lowered:
.L_overlay_start_1:
0x0: {  	(tag) =	ssettag $0x1  }
0x1: {  	s1 =	srdreg.scid  }
0x2: {  	s0 =	stileid.u32;
	s10 =	sand.u32 $0x1, s1  }
0x3: {  	s30 =	sshll.u32 s0, $0xA;
	s2 =	sshll.u32 s10, $0x9  }
0x4: {  	s9 =	rddreg [dreg:$0x0];
	s11 =	sor.u32 s2, s30  }
0x5: {  	s1 =	rddreg [dreg:$0x1];
	s2 =	simm.s32 $0x0;
	s3 =	sshrl.u32 s11, $0x3  }
0x6: {  	[smem:$0x7FF] =	sst s2;
	s3 =	sadd.s32 s3, s9  }
0x7: {  	_ =	strace $0x80000047;
	s4 =	sadd.s32 $0xC00, s3;
	s3 =	simm.s32 $0x2  }
0x8: {  	[tilespmem:s2], [sflag:$0x2] =	stream.linear.gather [hbm4b:s4+s2], $0x200, $0x38;
	[tilespmem:$0x8200] =	vst v63  }
0x9: {  	_ =	swait.ge [sflag:s3], $0x200  }
0xa: {  	s6 =	simm.s32 $0x100;
	s7 =	simm.s32 $0x200;
	[sflag:s3] =	ssyncset.done $0x0  }
0xb: {  	s8 =	simm.s32 $0x1;
	s5 =	sadd.s32 $0x1400, s9;
	[sflag:s3] =	ssyncadd.s32 $0xFFFFFE00  }
0xc: {  	[tilespmem:s7], [sflag:$0x1] =	stream.indirect.gather [hbm4b:s5+s6], $0x80, s2, s6, $0xb8;
	[tilespmem:$0x8200] =	vst v63  }
0xd: {  	s11 =	sshll.u32 s11, $0x4;
	_ =	swait.ge [sflag:s8], $0x8000  }
0xe: {  	s11 =	sadd.s32 s11, s9;
	[sflag:s8] =	ssyncset.done $0x0  }
0xf: {  	s10 =	ssub.s32 $0x2, s10;
	s9 =	sadd.s32 $0x9400, s11;
	[sflag:s8] =	ssyncadd.s32 $0xFFFF8000  }
0x10: {  	[hbm4b:s9+s2] =	stream.linear.scatter [tilespmem:s7], [sflag:$0x2], $0x8000, $0x38;
	[tilespmem:$0x8200] =	vst v63  }
0x11: {  	s12 =	sshrl.u32 s10, $0x1;
	_ =	swait.ge [sflag:s3], $0x8000  }
0x12: {  	s12 =	ssub.s32 s10, s12;
	[sflag:s3] =	ssyncset.done $0x0  }
0x13: {  	s31 =	smax.u32 s12, $0x1;
	[sflag:s3] =	ssyncadd.s32 $0xFFFF8000  }
0x14: {  	[tilespmem:s7], [sflag:$0x1] =	stream.indirect.gather [hbm4b:s5+s6], $0x80, s6, s6, $0xb8;
	[tilespmem:$0x8200] =	vst v63  }
0x15: {  	p0 =	sne.s32 s31, $0x1;
	_ =	swait.ge [sflag:s8], $0x8000  }
.Ltmp0:
0x16: {  	[sflag:s8] =	ssyncset.done $0x0;
	(pc) =	sbr.rel @!p0 .LBB2_2-.Ltmp0, $4  }
0x17: {  	s10 =	sadd.s32 $0xA400, s11;
	[sflag:s8] =	ssyncadd.s32 $0xFFFF8000  }
0x18: {  	[hbm4b:s10+s2] =	stream.linear.scatter [tilespmem:s7], [sflag:$0x2], $0x8000, $0x38;
	[tilespmem:$0x8200] =	vst v63  }
0x19: {  	_ =	swait.ge [sflag:s3], $0x8000  }
0x1a: {  	s11 =	sadd.s32 $0xFFFFFFFF, s31;
	[sflag:s3] =	ssyncset.done $0x0  }
.LBB2_1:
0x1b: {  	p0 =	sne.s32 s11, $0x1;
	s11 =	sadd.s32 $0xFFFFFFFF, s11;
	[sflag:s3] =	ssyncadd.s32 $0xFFFF8000  }
0x1c: {  	[tilespmem:s2], [sflag:$0x2] =	stream.linear.gather [hbm4b:s4+s2], $0x200, $0x38;
	[tilespmem:$0x8200] =	vst v63  }
0x1d: {  	_ =	swait.ge [sflag:s3], $0x200  }
0x1e: {  	[sflag:s3] =	ssyncset.done $0x0  }
0x1f: {  	[sflag:s3] =	ssyncadd.s32 $0xFFFFFE00  }
0x20: {  	[tilespmem:s7], [sflag:$0x1] =	stream.indirect.gather [hbm4b:s5+s6], $0x80, s2, s6, $0xb8;
	[tilespmem:$0x8200] =	vst v63  }
0x21: {  	_ =	swait.ge [sflag:s8], $0x8000  }
0x22: {  	[sflag:s8] =	ssyncset.done $0x0  }
0x23: {  	[sflag:s8] =	ssyncadd.s32 $0xFFFF8000  }
0x24: {  	[hbm4b:s9+s2] =	stream.linear.scatter [tilespmem:s7], [sflag:$0x2], $0x8000, $0x38;
	[tilespmem:$0x8200] =	vst v63  }
0x25: {  	_ =	swait.ge [sflag:s3], $0x8000  }
0x26: {  	[sflag:s3] =	ssyncset.done $0x0  }
0x27: {  	[sflag:s3] =	ssyncadd.s32 $0xFFFF8000  }
0x28: {  	[tilespmem:s7], [sflag:$0x1] =	stream.indirect.gather [hbm4b:s5+s6], $0x80, s6, s6, $0xb8;
	[tilespmem:$0x8200] =	vst v63  }
0x29: {  	_ =	swait.ge [sflag:s8], $0x8000  }
.Ltmp1:
0x2a: {  	[sflag:s8] =	ssyncset.done $0x0;
	(pc) =	sbr.rel @p0 .LBB2_1-.Ltmp1, $4  }
0x2b: {  	[sflag:s8] =	ssyncadd.s32 $0xFFFF8000  }
0x2c: {  	[hbm4b:s10+s2] =	stream.linear.scatter [tilespmem:s7], [sflag:$0x2], $0x8000, $0x38;
	[tilespmem:$0x8200] =	vst v63  }
0x2d: {  	_ =	swait.ge [sflag:s3], $0x8000  }
0x2e: {  	[sflag:s3] =	ssyncset.done $0x0  }
.LBB2_2:
0x2f: {  	[sflag:s3] =	ssyncadd.s32 $0xFFFF8000  }
0x30: {  	_ =	sfence.sel $0x180000  }
0x31: {  	[bflag:$0x0] =	sbarrier.arrive $0xFFFF  }
0x32: {  	p0 =	sne.s32 s0, $0x0;
	_ =	strace $0x90000047  }
0x33: {  	s0 =	sadd.s32 @!p0 $0x100000, s1;
	[bflag:$0x2] =	sbarrier.arrive $0xFFFF  }
0x34: {  	[sflag:s0] =	ssyncadd.tile.s32 @!p0 $0x1;
	_ =	shalt  }
.Lfunc_end2:
_tile_overlayer_lowered:
.L_overlay_start_2:
0x35: {  	(tag) =	ssettag $0x2  }
0x36: {  	s0 =	rddreg [dreg:$0x0];
	s2 =	stileid.u32  }
0x37: {  	s1 =	rddreg [dreg:$0x1];
	p0 =	sne.s32 s2, $0x0  }
0x38: {  	s3 =	rddreg [dreg:$0x2];
	[bflag:$0x3] =	sbarrier.arrive $0xFFFF;
	s2 =	simm.s32 @!p0 $0x1C02  }
0x39: {  	[timem:s3], [sflag:s2] =	dma.local @!p0 [hbm:s0], s1  }
0x3a: {  	s0 =	simm.s32 @!p0 $0x2  }
0x3b: {  	_ =	swait.ge @!p0 [sflag:s0], s1  }
0x3c: {  	s1 =	ssub.s32 @!p0 $0x0, s1;
	[sflag:s0] =	ssyncset.done @!p0 $0x0  }
0x3d: {  	[sflag:s0] =	ssyncadd.s32 @!p0 s1  }
0x3e: {  	[bflag:$0x3] =	sbarrier.arrive $0xFFFF  }
0x3f: {  	_ =	shalt  }

</sc_bundles>
